<compile_context>
chip_gen: v7x
topology: tpu7x:2x2x1
jax: 0.10.2.dev20260603
libtpu: 0.0.44.dev20260713+nightly
codegen_flags: <defaults>
</compile_context>

<pallas_src>
import functools
import jax
import jax.numpy as jnp
from jax import lax
from jax.experimental import pallas as pl
from jax.experimental.pallas import tpu as pltpu
from jax.experimental.pallas import tpu_sc as plsc

_MARGIN = 1.0
_B, _C, _D = 1024, 1000, 64

_info = plsc.get_sparse_core_info()
_NC, _NS, _L = _info.num_cores, _info.num_subcores, _info.num_lanes
_NW = _NC * _NS
_BPW = _B // _NW


def _sc_body(lab_hbm, tabp_hbm, out_hbm, idx_v, idx2_v, rows_v, sem):
    wid = lax.axis_index("s") * _NC + lax.axis_index("c")
    base = wid * _BPW
    pltpu.sync_copy(lab_hbm.at[pl.ds(base, _BPW)], idx_v)
    for j in range(_BPW // _L):
        idx2_v[pl.ds(j * _L, _L)] = idx_v[pl.ds(j * _L, _L)] >> 1
    pltpu.async_copy(tabp_hbm.at[idx2_v], rows_v, sem).wait()
    pltpu.sync_copy(rows_v, out_hbm.at[pl.ds(base, _BPW)])


_sc_gather = functools.partial(
    pl.kernel,
    mesh=plsc.VectorSubcoreMesh(core_axis_name="c", subcore_axis_name="s"),
    out_type=jax.ShapeDtypeStruct((_B, 2 * _D), jnp.float32),
    scratch_types=[
        pltpu.VMEM((_BPW,), jnp.int32),
        pltpu.VMEM((_BPW,), jnp.int32),
        pltpu.VMEM((_BPW, 2 * _D), jnp.float32),
        pltpu.SemaphoreType.DMA,
    ],
)(_sc_body)


def _tc_kernel(woT_ref, lab_ref, tab_ref, embT_ref, out_ref):
    B = woT_ref.shape[1]
    C = tab_ref.shape[0]
    D = woT_ref.shape[0]
    woT = woT_ref[:]
    x2 = jnp.sum(woT * woT, axis=0, keepdims=True)
    inv = jax.lax.rsqrt(jnp.maximum(x2, 1e-24))
    wnT = woT * (-2.0 * inv)
    xn2 = x2 * (inv * inv)
    rhs = jnp.concatenate([wnT, jnp.ones((1, B), jnp.float32)], axis=0)

    tab = tab_ref[:]
    t2 = jnp.sum(tab * tab, axis=1, keepdims=True)
    lhs = jnp.concatenate([tab, t2], axis=1)
    d2p = jnp.dot(lhs, rhs, preferred_element_type=jnp.float32)

    lab = lab_ref[:]
    rows = jax.lax.broadcasted_iota(jnp.int32, (C, B), 0)
    is_lab = rows == lab
    min_d2 = jnp.min(jnp.where(is_lab, jnp.inf, d2p), axis=0, keepdims=True) + xn2

    embT = embT_ref[:]
    odd = (lab & 1) == 1
    emb_lo = embT[:D, :]
    emb_hi = embT[D:, :]
    dot_lo = jnp.sum(woT * emb_lo, axis=0, keepdims=True)
    dot_hi = jnp.sum(woT * emb_hi, axis=0, keepdims=True)
    t2_lo = jnp.sum(emb_lo * emb_lo, axis=0, keepdims=True)
    t2_hi = jnp.sum(emb_hi * emb_hi, axis=0, keepdims=True)
    dotwt = jnp.where(odd, dot_hi, dot_lo)
    t2l = jnp.where(odd, t2_hi, t2_lo)
    lab_d2 = xn2 + t2l + (-2.0 * inv) * dotwt

    lab_d = lab_d2 * jax.lax.rsqrt(jnp.maximum(lab_d2, 1e-30))
    min_d = min_d2 * jax.lax.rsqrt(jnp.maximum(min_d2, 1e-30))
    s = jnp.sum(lab_d - min_d, axis=1, keepdims=True)
    out_ref[:, :] = _MARGIN + s / B


def kernel(WO, label, table):
    B, _ = WO.shape
    lab32 = label.astype(jnp.int32)
    tabp = table.reshape(_C // 2, 2 * _D)
    emb = _sc_gather(lab32, tabp)
    out = pl.pallas_call(
        _tc_kernel,
        out_shape=jax.ShapeDtypeStruct((1, 1), jnp.float32),
    )(WO.T, lab32.reshape(1, B), table, emb.T)
    return out[0, 0]

# --- scband reference (transcript-rebuilt; emitter-appended) ---
"""Pipeline reference for scband-distance-loss-8942121910555 (READ-ONLY COPY).

The authoritative reference and input builder live on the scoring server;
editing this copy changes nothing except your own understanding.
"""

import jax, jax.numpy as jnp
import numpy as np

B = 1024
C = 1000
D = 64
MARGIN = 1.0

def setup_inputs(seed: int = 0) -> dict:
    key = jax.random.key(seed)
    k1, k2, k3 = jax.random.split(key, 3)
    WO = jax.random.normal(k1, (B, D), dtype=jnp.float32)
    label = jax.random.randint(k2, (B,), 0, C)
    # learned parameter: output_embedding.weight, shape [C, D]
    table = jax.random.normal(k3, (C, D), dtype=jnp.float32)
    return {"WO": WO, "label": label, "table": table}

def reference(WO, label, table):
    Cn = table.shape[0]
    # F.normalize(WO, dim=-1) with eps=1e-12
    nrm = jnp.linalg.norm(WO, axis=-1, keepdims=True)
    WO_norm = WO / jnp.maximum(nrm, 1e-12)
    # distance to the true-label embedding: torch.norm(..., p=2, dim=1)
    label_emb = jnp.take(table, label, axis=0)            # gather [B, D]
    label_dist = jnp.linalg.norm(WO_norm - label_emb, axis=1)
    # distances to ALL classes [B, C]; original loops to build all classes
    # except the label, which is equivalent to masking the label column
    diff = WO_norm[:, None, :] - table[None, :, :]        # [B, C, D]
    all_dist = jnp.sqrt(jnp.sum(diff * diff, axis=-1))    # [B, C]
    is_label = jnp.arange(Cn)[None, :] == label[:, None]  # [B, C]
    all_dist_masked = jnp.where(is_label, jnp.inf, all_dist)
    y_minus_dist = jnp.min(all_dist_masked, axis=-1)      # min over C-1 negatives
    loss = jnp.mean(MARGIN + label_dist - y_minus_dist)
    return loss

if __name__ == "__main__":
    import jax
    _d = setup_inputs()
    print(jax.jit(kernel)(*tuple(_d.values())))

</pallas_src>

<mosaic_0001>
#map = affine_map<(d0, d1) -> (0)>
#map1 = affine_map<(d0, d1) -> (0, 0)>
module attributes {stable_mosaic.version = 14 : i64} {
  func.func @_sc_body(%arg0: i32, %arg1: i32, %arg2: memref<1024xi32, #tpu.memory_space<hbm>>, %arg3: memref<500x128xf32, #tpu.memory_space<hbm>>, %arg4: memref<1024x128xf32, #tpu.memory_space<hbm>>, %arg5: memref<32xi32, #tpu.memory_space<vmem>>, %arg6: memref<32xi32, #tpu.memory_space<vmem>>, %arg7: memref<32x128xf32, #tpu.memory_space<vmem>>, %arg8: memref<!tpu.dma_semaphore, #tpu.memory_space<semaphore_mem>>) attributes {dimension_semantics = [#tpu.dimension_semantics<core_parallel>, #tpu.dimension_semantics<subcore_parallel>], iteration_bounds = array<i64: 2, 16>, scalar_prefetch = 0 : i64, scratch_operands = 4 : i64, tpu.core_type = #tpu.core_type<sc_vector_subcore>, window_params = [{transform_indices = #map}, {transform_indices = #map1}, {transform_indices = #map1}]} {
    %mul3A = arith.constant 2 : i32
    %mul3A_0 = arith.muli %arg1, %mul3A : i32
    %add3A = arith.addi %mul3A_0, %arg0 : i32
    %mul3A_1 = arith.constant 32 : i32
    %mul3A_2 = arith.muli %add3A, %mul3A_1 : i32
    "tpu.region"() ({
      %run_scoped3A = tpu.sem_alloc : memref<!tpu.dma_semaphore, #tpu.memory_space<semaphore_mem>>
      %dma_start3A_24 = tpu.memref_slice %arg2[%mul3A_2] : memref<1024xi32, #tpu.memory_space<hbm>> -> memref<32xi32, #tpu.memory_space<hbm>>
      %dma_start3A_25 = tpu.memref_slice %arg2[%mul3A_2] : memref<1024xi32, #tpu.memory_space<hbm>> -> memref<32xi32, #tpu.memory_space<hbm>>
      tpu.enqueue_dma source(%dma_start3A_25 : memref<32xi32, #tpu.memory_space<hbm>>) target(%arg5 : memref<32xi32, #tpu.memory_space<vmem>>) target_semaphore(%run_scoped3A : memref<!tpu.dma_semaphore, #tpu.memory_space<semaphore_mem>>)
      %dma_wait3A_26 = tpu.memref_slice %arg2[%mul3A_2] : memref<1024xi32, #tpu.memory_space<hbm>> -> memref<32xi32, #tpu.memory_space<hbm>>
      %dma_wait3A_27 = tpu.memref_slice %arg2[%mul3A_2] : memref<1024xi32, #tpu.memory_space<hbm>> -> memref<32xi32, #tpu.memory_space<hbm>>
      tpu.wait_dma2 semaphore(%run_scoped3A : memref<!tpu.dma_semaphore, #tpu.memory_space<semaphore_mem>>) src(%dma_wait3A_27 : memref<32xi32, #tpu.memory_space<hbm>>) dst(%arg5 : memref<32xi32, #tpu.memory_space<vmem>>)
      tpu.yield
    }) : () -> ()
    %get3A = arith.constant 0 : index
    %get3A_3 = tpu.vector_load %arg5[%get3A] {strides = array<i32>} : memref<32xi32, #tpu.memory_space<vmem>>, vector<16xi32>,
    %get3A_4 = vector.shape_cast %get3A_3 : vector<16xi32> to vector<16xi32>
    %shift_right_arithmetic3A = arith.constant 1 : i32
    %shift_right_arithmetic3A_5 = vector.broadcast %shift_right_arithmetic3A : i32 to vector<16xi32>
    %shift_right_arithmetic3A_6 = arith.shrsi %get3A_4, %shift_right_arithmetic3A_5 : vector<16xi32>
    %swap3A = arith.constant 0 : index
    %swap3A_7 = tpu.vector_load %arg6[%swap3A] {strides = array<i32>} : memref<32xi32, #tpu.memory_space<vmem>>, vector<16xi32>,
    %swap3A_8 = vector.shape_cast %swap3A_7 : vector<16xi32> to vector<16xi32>
    %swap3A_9 = vector.shape_cast %shift_right_arithmetic3A_6 : vector<16xi32> to vector<16xi32>
    tpu.vector_store %arg6[%swap3A], %swap3A_9 {strides = array<i32>} : memref<32xi32, #tpu.memory_space<vmem>>, vector<16xi32>,
    %get3A_10 = arith.constant 16 : index
    %get3A_11 = tpu.vector_load %arg5[%get3A_10] {strides = array<i32>} : memref<32xi32, #tpu.memory_space<vmem>>, vector<16xi32>,
    %get3A_12 = vector.shape_cast %get3A_11 : vector<16xi32> to vector<16xi32>
    %shift_right_arithmetic3A_13 = arith.constant 1 : i32
    %shift_right_arithmetic3A_14 = vector.broadcast %shift_right_arithmetic3A_13 : i32 to vector<16xi32>
    %shift_right_arithmetic3A_15 = arith.shrsi %get3A_12, %shift_right_arithmetic3A_14 : vector<16xi32>
    %swap3A_16 = arith.constant 16 : index
    %swap3A_17 = tpu.vector_load %arg6[%swap3A_16] {strides = array<i32>} : memref<32xi32, #tpu.memory_space<vmem>>, vector<16xi32>,
    %swap3A_18 = vector.shape_cast %swap3A_17 : vector<16xi32> to vector<16xi32>
    %swap3A_19 = vector.shape_cast %shift_right_arithmetic3A_15 : vector<16xi32> to vector<16xi32>
    tpu.vector_store %arg6[%swap3A_16], %swap3A_19 {strides = array<i32>} : memref<32xi32, #tpu.memory_space<vmem>>, vector<16xi32>,
    %dma_start3A = arith.constant 0 : i32
    %dma_start3A_20 = arith.constant 0 : i32
    %dma_start3A_21 = tpu.memref_slice %arg3[%dma_start3A, %dma_start3A_20] : memref<500x128xf32, #tpu.memory_space<hbm>> -> memref<500x128xf32, #tpu.memory_space<hbm>>
    tpu.enqueue_indirect_dma source(%dma_start3A_21 : memref<500x128xf32, #tpu.memory_space<hbm>>) target(%arg7 : memref<32x128xf32, #tpu.memory_space<vmem>>) offsets(%arg6 : memref<32xi32, #tpu.memory_space<vmem>>) semaphore(%arg8 : memref<!tpu.dma_semaphore, #tpu.memory_space<semaphore_mem>>)
    %dma_wait3A = arith.constant 0 : i32
    %dma_wait3A_22 = arith.constant 0 : i32
    %dma_wait3A_23 = tpu.memref_slice %arg3[%dma_wait3A, %dma_wait3A_22] : memref<500x128xf32, #tpu.memory_space<hbm>> -> memref<500x128xf32, #tpu.memory_space<hbm>>
    tpu.wait_indirect_dma semaphore(%arg8 : memref<!tpu.dma_semaphore, #tpu.memory_space<semaphore_mem>>) src(%dma_wait3A_23 : memref<500x128xf32, #tpu.memory_space<hbm>>) dst(%arg7 : memref<32x128xf32, #tpu.memory_space<vmem>>)
    "tpu.region"() ({
      %run_scoped3A = tpu.sem_alloc : memref<!tpu.dma_semaphore, #tpu.memory_space<semaphore_mem>>
      %dma_start3A_24 = arith.constant 0 : i32
      %dma_start3A_25 = tpu.memref_slice %arg4[%mul3A_2, %dma_start3A_24] : memref<1024x128xf32, #tpu.memory_space<hbm>> -> memref<32x128xf32, #tpu.memory_space<hbm>>
      %dma_start3A_26 = arith.constant 0 : i32
      %dma_start3A_27 = tpu.memref_slice %arg4[%mul3A_2, %dma_start3A_26] : memref<1024x128xf32, #tpu.memory_space<hbm>> -> memref<32x128xf32, #tpu.memory_space<hbm>>
      tpu.enqueue_dma source(%arg7 : memref<32x128xf32, #tpu.memory_space<vmem>>) target(%dma_start3A_27 : memref<32x128xf32, #tpu.memory_space<hbm>>) target_semaphore(%run_scoped3A : memref<!tpu.dma_semaphore, #tpu.memory_space<semaphore_mem>>)
      %dma_wait3A_28 = arith.constant 0 : i32
      %dma_wait3A_29 = tpu.memref_slice %arg4[%mul3A_2, %dma_wait3A_28] : memref<1024x128xf32, #tpu.memory_space<hbm>> -> memref<32x128xf32, #tpu.memory_space<hbm>>
      %dma_wait3A_30 = arith.constant 0 : i32
      %dma_wait3A_31 = tpu.memref_slice %arg4[%mul3A_2, %dma_wait3A_30] : memref<1024x128xf32, #tpu.memory_space<hbm>> -> memref<32x128xf32, #tpu.memory_space<hbm>>
      tpu.wait_dma2 semaphore(%run_scoped3A : memref<!tpu.dma_semaphore, #tpu.memory_space<semaphore_mem>>) src(%arg7 : memref<32x128xf32, #tpu.memory_space<vmem>>) dst(%dma_wait3A_31 : memref<32x128xf32, #tpu.memory_space<hbm>>)
      tpu.yield
    }) : () -> ()
    return
  }
}

module attributes {stable_mosaic.version = 14 : i64} {
  func.func @_tc_kernel(%arg0: memref<64x1024xf32, #tpu.memory_space<vmem>>, %arg1: memref<1x1024xi32, #tpu.memory_space<vmem>>, %arg2: memref<1000x64xf32, #tpu.memory_space<vmem>>, %arg3: memref<128x1024xf32, #tpu.memory_space<vmem>>, %arg4: memref<1x1xf32, #tpu.memory_space<vmem>>) attributes {dimension_semantics = [], scalar_prefetch = 0 : i64, scratch_operands = 0 : i64, tpu.core_type = #tpu.core_type<tc>} {
    %get3A = arith.constant 0 : index
    %get3A_0 = arith.constant 0 : index
    %get3A_1 = vector.load %arg0[%get3A, %get3A_0] : memref<64x1024xf32, #tpu.memory_space<vmem>>, vector<64x1024xf32>
    %mul3A = arith.mulf %get3A_1, %get3A_1 : vector<64x1024xf32>
    %reduce_sum3A = arith.constant dense<0.000000e+00> : vector<1024xf32>
    %reduce_sum3A_2 = vector.multi_reduction <add>, %mul3A, %reduce_sum3A [0] : vector<64x1024xf32> to vector<1024xf32>
    %broadcast_in_dim3A = vector.shape_cast %reduce_sum3A_2 : vector<1024xf32> to vector<1x1024xf32>
    %max3A = arith.constant 1.000000e-24 : f32
    %max3A_3 = vector.broadcast %max3A : f32 to vector<1x1024xf32>
    %max3A_4 = arith.maximumf %broadcast_in_dim3A, %max3A_3 : vector<1x1024xf32>
    %rsqrt3A = math.rsqrt %max3A_4 : vector<1x1024xf32>
    %mul3A_5 = arith.constant -2.000000e+00 : f32
    %mul3A_6 = vector.broadcast %mul3A_5 : f32 to vector<1x1024xf32>
    %mul3A_7 = arith.mulf %mul3A_6, %rsqrt3A : vector<1x1024xf32>
    %mul3A_8 = vector.broadcast %mul3A_7 : vector<1x1024xf32> to vector<64x1024xf32>
    %mul3A_9 = arith.mulf %get3A_1, %mul3A_8 : vector<64x1024xf32>
    %mul3A_10 = arith.mulf %rsqrt3A, %rsqrt3A : vector<1x1024xf32>
    %mul3A_11 = arith.mulf %broadcast_in_dim3A, %mul3A_10 : vector<1x1024xf32>
    %broadcast_in_dim3A_12 = arith.constant 1.000000e+00 : f32
    %broadcast_in_dim3A_13 = vector.broadcast %broadcast_in_dim3A_12 : f32 to vector<1x1024xf32>
    %concatenate3A = tpu.concatenate %mul3A_9, %broadcast_in_dim3A_13 in 0 : vector<64x1024xf32>, vector<1x1024xf32> -> vector<65x1024xf32>
    %get3A_14 = arith.constant 0 : index
    %get3A_15 = arith.constant 0 : index
    %get3A_16 = vector.load %arg2[%get3A_14, %get3A_15] : memref<1000x64xf32, #tpu.memory_space<vmem>>, vector<1000x64xf32>
    %mul3A_17 = arith.mulf %get3A_16, %get3A_16 : vector<1000x64xf32>
    %reduce_sum3A_18 = arith.constant dense<0.000000e+00> : vector<1000xf32>
    %reduce_sum3A_19 = vector.multi_reduction <add>, %mul3A_17, %reduce_sum3A_18 [1] : vector<1000x64xf32> to vector<1000xf32>
    %broadcast_in_dim3A_20 = vector.shape_cast %reduce_sum3A_19 : vector<1000xf32> to vector<1000x1xf32>
    %concatenate3A_21 = tpu.concatenate %get3A_16, %broadcast_in_dim3A_20 in 1 : vector<1000x64xf32>, vector<1000x1xf32> -> vector<1000x65xf32>
    %dot_general3A = arith.constant dense<0.000000e+00> : vector<1000x1024xf32>
    %dot_general3A_22 = tpu.matmul %concatenate3A_21, %concatenate3A, %dot_general3A {dimension_numbers = #tpu.dot_dimension_numbers<[1], [0], [0], [1], [0, 0, 1, 1], [], []>, transpose_lhs_hint = false} : vector<1000x65xf32>, vector<65x1024xf32>, vector<1000x1024xf32> -> vector<1000x1024xf32>
    %get3A_23 = arith.constant 0 : index
    %get3A_24 = arith.constant 0 : index
    %get3A_25 = vector.load %arg1[%get3A_23, %get3A_24] : memref<1x1024xi32, #tpu.memory_space<vmem>>, vector<1x1024xi32>
    %iota3A = tpu.iota {dimensions = array<i32: 0>} : vector<1000x1024xi32>
    %eq3A = vector.broadcast %get3A_25 : vector<1x1024xi32> to vector<1000x1024xi32>
    %eq3A_26 = arith.cmpi eq, %iota3A, %eq3A : vector<1000x1024xi32>
    %jit3A = arith.constant 0x7F800000 : f32
    %broadcast_in_dim3A_27 = vector.broadcast %jit3A : f32 to vector<1000x1024xf32>
    %select_n3A = arith.select %eq3A_26, %broadcast_in_dim3A_27, %dot_general3A_22 : vector<1000x1024xi1>, vector<1000x1024xf32>
    %reduce_min3A = arith.constant dense<0x7F800000> : vector<1024xf32>
    %reduce_min3A_28 = vector.multi_reduction <minimumf>, %select_n3A, %reduce_min3A [0] : vector<1000x1024xf32> to vector<1024xf32>
    %broadcast_in_dim3A_29 = vector.shape_cast %reduce_min3A_28 : vector<1024xf32> to vector<1x1024xf32>
    %add3A = arith.addf %broadcast_in_dim3A_29, %mul3A_11 : vector<1x1024xf32>
    %get3A_30 = arith.constant 0 : index
    %get3A_31 = arith.constant 0 : index
    %get3A_32 = vector.load %arg3[%get3A_30, %get3A_31] : memref<128x1024xf32, #tpu.memory_space<vmem>>, vector<128x1024xf32>
    %and3A = arith.constant 1 : i32
    %and3A_33 = vector.broadcast %and3A : i32 to vector<1x1024xi32>
    %and3A_34 = arith.andi %get3A_25, %and3A_33 : vector<1x1024xi32>
    %eq3A_35 = arith.constant 1 : i32
    %eq3A_36 = vector.broadcast %eq3A_35 : i32 to vector<1x1024xi32>
    %eq3A_37 = arith.cmpi eq, %and3A_34, %eq3A_36 : vector<1x1024xi32>
    %slice3A = vector.extract_strided_slice %get3A_32 {offsets = [0, 0], sizes = [64, 1024], strides = [1, 1]} : vector<128x1024xf32> to vector<64x1024xf32>
    %slice3A_38 = vector.extract_strided_slice %get3A_32 {offsets = [64, 0], sizes = [64, 1024], strides = [1, 1]} : vector<128x1024xf32> to vector<64x1024xf32>
    %mul3A_39 = arith.mulf %get3A_1, %slice3A : vector<64x1024xf32>
    %reduce_sum3A_40 = arith.constant dense<0.000000e+00> : vector<1024xf32>
    %reduce_sum3A_41 = vector.multi_reduction <add>, %mul3A_39, %reduce_sum3A_40 [0] : vector<64x1024xf32> to vector<1024xf32>
    %broadcast_in_dim3A_42 = vector.shape_cast %reduce_sum3A_41 : vector<1024xf32> to vector<1x1024xf32>
    %mul3A_43 = arith.mulf %get3A_1, %slice3A_38 : vector<64x1024xf32>
    %reduce_sum3A_44 = arith.constant dense<0.000000e+00> : vector<1024xf32>
    %reduce_sum3A_45 = vector.multi_reduction <add>, %mul3A_43, %reduce_sum3A_44 [0] : vector<64x1024xf32> to vector<1024xf32>
    %broadcast_in_dim3A_46 = vector.shape_cast %reduce_sum3A_45 : vector<1024xf32> to vector<1x1024xf32>
    %mul3A_47 = arith.mulf %slice3A, %slice3A : vector<64x1024xf32>
    %reduce_sum3A_48 = arith.constant dense<0.000000e+00> : vector<1024xf32>
    %reduce_sum3A_49 = vector.multi_reduction <add>, %mul3A_47, %reduce_sum3A_48 [0] : vector<64x1024xf32> to vector<1024xf32>
    %broadcast_in_dim3A_50 = vector.shape_cast %reduce_sum3A_49 : vector<1024xf32> to vector<1x1024xf32>
    %mul3A_51 = arith.mulf %slice3A_38, %slice3A_38 : vector<64x1024xf32>
    %reduce_sum3A_52 = arith.constant dense<0.000000e+00> : vector<1024xf32>
    %reduce_sum3A_53 = vector.multi_reduction <add>, %mul3A_51, %reduce_sum3A_52 [0] : vector<64x1024xf32> to vector<1024xf32>
    %broadcast_in_dim3A_54 = vector.shape_cast %reduce_sum3A_53 : vector<1024xf32> to vector<1x1024xf32>
    %select_n3A_55 = arith.select %eq3A_37, %broadcast_in_dim3A_46, %broadcast_in_dim3A_42 : vector<1x1024xi1>, vector<1x1024xf32>
    %select_n3A_56 = arith.select %eq3A_37, %broadcast_in_dim3A_54, %broadcast_in_dim3A_50 : vector<1x1024xi1>, vector<1x1024xf32>
    %add3A_57 = arith.addf %mul3A_11, %select_n3A_56 : vector<1x1024xf32>
    %mul3A_58 = arith.constant -2.000000e+00 : f32
    %mul3A_59 = vector.broadcast %mul3A_58 : f32 to vector<1x1024xf32>
    %mul3A_60 = arith.mulf %mul3A_59, %rsqrt3A : vector<1x1024xf32>
    %mul3A_61 = arith.mulf %mul3A_60, %select_n3A_55 : vector<1x1024xf32>
    %add3A_62 = arith.addf %add3A_57, %mul3A_61 : vector<1x1024xf32>
    %max3A_63 = arith.constant 1.000000e-30 : f32
    %max3A_64 = vector.broadcast %max3A_63 : f32 to vector<1x1024xf32>
    %max3A_65 = arith.maximumf %add3A_62, %max3A_64 : vector<1x1024xf32>
    %rsqrt3A_66 = math.rsqrt %max3A_65 : vector<1x1024xf32>
    %mul3A_67 = arith.mulf %add3A_62, %rsqrt3A_66 : vector<1x1024xf32>
    %max3A_68 = arith.constant 1.000000e-30 : f32
    %max3A_69 = vector.broadcast %max3A_68 : f32 to vector<1x1024xf32>
    %max3A_70 = arith.maximumf %add3A, %max3A_69 : vector<1x1024xf32>
    %rsqrt3A_71 = math.rsqrt %max3A_70 : vector<1x1024xf32>
    %mul3A_72 = arith.mulf %add3A, %rsqrt3A_71 : vector<1x1024xf32>
    %sub3A = arith.subf %mul3A_67, %mul3A_72 : vector<1x1024xf32>
    %reduce_sum3A_73 = arith.constant dense<0.000000e+00> : vector<1xf32>
    %reduce_sum3A_74 = vector.multi_reduction <add>, %sub3A, %reduce_sum3A_73 [1] : vector<1x1024xf32> to vector<1xf32>
    %broadcast_in_dim3A_75 = vector.shape_cast %reduce_sum3A_74 : vector<1xf32> to vector<1x1xf32>
    %div3A = arith.constant 1.024000e+03 : f32
    %div3A_76 = vector.broadcast %div3A : f32 to vector<1x1xf32>
    %div3A_77 = arith.divf %broadcast_in_dim3A_75, %div3A_76 : vector<1x1xf32>
    %add3A_78 = arith.constant 1.000000e+00 : f32
    %add3A_79 = vector.broadcast %add3A_78 : f32 to vector<1x1xf32>
    %add3A_80 = arith.addf %add3A_79, %div3A_77 : vector<1x1xf32>
    %swap3A = arith.constant 0 : index
    %swap3A_81 = arith.constant 0 : index
    %swap3A_82 = vector.load %arg4[%swap3A, %swap3A_81] : memref<1x1xf32, #tpu.memory_space<vmem>>, vector<1x1xf32>
    tpu.vector_store %arg4[%swap3A, %swap3A_81], %add3A_80 {strides = array<i32>} : memref<1x1xf32, #tpu.memory_space<vmem>>, vector<1x1xf32>,
    return
  }
}

</mosaic_0001>

<sc_bundles>
// kernel: kernel.4.cloned.1.call-start
scs
__scs_entry_jumppad:
0x0: {  	(pc) =	sbr.rel $0x88, $3  }
0x1: {  	(tag) =	ssettag $0x0;
	lr =	simm.s32 $0x1  }
0x2: {  	[smem:$0x3F9E] =	sst lr;
	_ =	strace $0xD0000000  }
0x3: {  	_ = 	snop  }
0x4: {  	_ = 	snop  }
0x5: {  	_ = 	snop  }
0x6: {  	_ = 	snop  }
0x7: {  	_ = 	snop  }
__scs_overlays_trampoline_lowered:
0x8: {  	[smem:$0x3FAD] =	sst s0  }
0x9: {  	[smem:$0x3FAE] =	sst s1  }
0xa: {  	[smem:$0x3FAF] =	sst s2  }
0xb: {  	[smem:$0x3FB0] =	sst s3  }
0xc: {  	[smem:$0x3FB1] =	sst s4  }
0xd: {  	[smem:$0x3FB2] =	sst s5  }
0xe: {  	[smem:$0x3FB3] =	sst s6  }
0xf: {  	[smem:$0x3FB4] =	sst s7  }
0x10: {  	[smem:$0x3FB5] =	sst s8  }
0x11: {  	[smem:$0x3FB6] =	sst s9;
	s0 =	simm.s32 @!p0 $0x0  }
0x12: {  	s1 =	sld [smem:$0x3F9C];
	s0 =	simm.s32 @p0 $0x1  }
0x13: {  	[smem:$0x3FB7] =	sst s0;
	s0 =	simm.s32 @!p1 $0x0  }
0x14: {  	s2 =	sld [smem:$0x3F9B];
	s0 =	simm.s32 @p1 $0x1  }
0x15: {  	[smem:$0x3FB8] =	sst s0;
	s0 =	simm.s32 @!p2 $0x0  }
0x16: {  	s3 =	sld [smem:$0x3FDB];
	s0 =	simm.s32 @p2 $0x1  }
0x17: {  	s4 =	simm.s32 $0x1BF5;
	[smem:$0x3FBA] =	sst s0  }
0x18: {  	s0 =	sld [smem:$0x3F9D];
	_ =	swait.ge [sflag:s4], $0x0  }
0x19: {  	s7 =	sld [smem:$0x3F9E]  }
0x1a: {  	s8 =	sadd.s32 $0xFFFFE003, lr  }
0x1b: {  	s9 =	sadd.s32 $0xFFFFFEF7, lr;
	s5 =	simm.s32 $0xFFFFFFFF;
	p2 =	slt.u32 s8, $0xFFFFF086  }
0x1c: {  	p1 =	slt.u32 s9, $0xF7A;
	s5 =	simm.s32 @!p2 $0x0  }
0x1d: {  	s5 =	simm.s32 @p1 $0x1;
	p0 =	seq.s32 s7, s2  }
0x1e: {  	s7 =	smul.u32 @!p0 $0xF7A, s2;
	p2 =	seq.s32 @!p0 s5, $0x0  }
0x1f: {  	s9 =	smul.u32 $0xF7A, s1;
	s8 =	simm.s32 @!p0 $0x1BF5;
	p2 =	por !p2, p0  }
0x20: {  	[sflag:s8] =	ssyncset.s32 @!p0 $0xFFFFF086;
	s6 =	sadd.s32 @!p0 s3, s7;
	s7 =	simm.s32 @!p0 $0x108  }
0x21: {  	s3 =	sadd.s32 s3, s9;
	s6 =	sadd.s32 @!p0 $0x88, s6;
	s7 =	simm.s32 @p2 $0x1082  }
0x22: {  	[simem:s7], [sflag:s8] =	dma.local @!p0 [hbm:s6], $0xF7A  }
0x23: {  	s9 =	sor.u32 $0xD0000000, s2;
	s6 =	simm.s32 $0x108;
	_ =	swait.ge @!p0 [sflag:s8], $0x0  }
0x24: {  	s3 =	sadd.s32 $0x88, s3;
	s6 =	simm.s32 @!p1 $0x1082;
	[sflag:s4] =	ssyncset.s32 $0xFFFFF086  }
0x25: {  	[simem:s6], [sflag:s4] =	dma.local [hbm:s3], $0xF7A  }
0x26: {  	[smem:$0x3F9E] =	sst s1;
	(tag) =	ssettag s2;
	_ =	strace s9  }
0x27: {  	s1 =	sld [smem:$0x3FAE]  }
0x28: {  	s2 =	sld [smem:$0x3FAF]  }
0x29: {  	s4 =	sld [smem:$0x3FB1]  }
0x2a: {  	p0 =	seq.s32 s5, $0x0;
	s5 =	sld [smem:$0x3FB2]  }
0x2b: {  	s6 =	sld [smem:$0x3FB3]  }
0x2c: {  	s7 =	sld [smem:$0x3FB4]  }
0x2d: {  	s3 =	simm.s32 $0x108;
	s8 =	sld [smem:$0x3FB5]  }
0x2e: {  	s3 =	simm.s32 @!p0 $0x1082;
	s9 =	sld [smem:$0x3FB6]  }
0x2f: {  	lr =	sadd.s32 s0, s3;
	s0 =	sld [smem:$0x3FAD]  }
0x30: {  	s3 =	sld [smem:$0x3FB0]  }
0x31: {  	[smem:$0x3FB9] =	sst s10  }
0x32: {  	s10 =	sld [smem:$0x3FB7];
	_ =	sdelay $0x3  }
0x33: {  	p0 =	seq.s32 s10, $0x1;
	s10 =	sld [smem:$0x3FB9];
	_ =	sdelay $0x3  }
0x34: {  	[smem:$0x3FB9] =	sst s10  }
0x35: {  	s10 =	sld [smem:$0x3FB8];
	_ =	sdelay $0x3  }
0x36: {  	p1 =	seq.s32 s10, $0x1;
	s10 =	sld [smem:$0x3FB9];
	_ =	sdelay $0x3  }
0x37: {  	[smem:$0x3FB9] =	sst s10  }
0x38: {  	s10 =	sld [smem:$0x3FBA]  }
0x39: {  	_ = 	snop;
	(pc) =	sbr.ind lr, $3  }
0x3a: {  	_ = 	snop  }
0x3b: {  	_ = 	snop  }
0x3c: {  	p2 =	seq.s32 s10, $0x1;
	s10 =	sld [smem:$0x3FB9]  }
0x3d: {  	_ =	shalt  }
0x3e: {  	_ =	shalt  }
0x3f: {  	_ =	shalt  }
0x40: {  	_ =	shalt  }
0x41: {  	_ =	shalt  }
0x42: {  	_ =	shalt  }
0x43: {  	_ =	shalt  }
0x44: {  	_ =	shalt  }
0x45: {  	_ =	shalt  }
0x46: {  	_ =	shalt  }
0x47: {  	_ =	shalt  }
0x48: {  	_ =	shalt  }
0x49: {  	_ =	shalt  }
0x4a: {  	_ =	shalt  }
0x4b: {  	_ =	shalt  }
0x4c: {  	_ =	shalt  }
0x4d: {  	_ =	shalt  }
0x4e: {  	_ =	shalt  }
0x4f: {  	_ =	shalt  }
0x50: {  	_ =	shalt  }
0x51: {  	_ =	shalt  }
0x52: {  	_ =	shalt  }
0x53: {  	_ =	shalt  }
0x54: {  	_ =	shalt  }
0x55: {  	_ =	shalt  }
0x56: {  	_ =	shalt  }
0x57: {  	_ =	shalt  }
0x58: {  	_ =	shalt  }
0x59: {  	_ =	shalt  }
0x5a: {  	_ =	shalt  }
0x5b: {  	_ =	shalt  }
0x5c: {  	_ =	shalt  }
0x5d: {  	_ =	shalt  }
0x5e: {  	_ =	shalt  }
0x5f: {  	_ =	shalt  }
0x60: {  	_ =	shalt  }
0x61: {  	_ =	shalt  }
0x62: {  	_ =	shalt  }
0x63: {  	_ =	shalt  }
0x64: {  	_ =	shalt  }
0x65: {  	_ =	shalt  }
0x66: {  	_ =	shalt  }
0x67: {  	_ =	shalt  }
0x68: {  	_ =	shalt  }
0x69: {  	_ =	shalt  }
0x6a: {  	_ =	shalt  }
0x6b: {  	_ =	shalt  }
0x6c: {  	_ =	shalt  }
0x6d: {  	_ =	shalt  }
0x6e: {  	_ =	shalt  }
0x6f: {  	_ =	shalt  }
0x70: {  	_ =	shalt  }
0x71: {  	_ =	shalt  }
0x72: {  	_ =	shalt  }
0x73: {  	_ =	shalt  }
0x74: {  	_ =	shalt  }
0x75: {  	_ =	shalt  }
0x76: {  	_ =	shalt  }
0x77: {  	_ =	shalt  }
0x78: {  	_ =	shalt  }
0x79: {  	_ =	shalt  }
0x7a: {  	_ =	shalt  }
0x7b: {  	_ =	shalt  }
0x7c: {  	_ =	shalt  }
0x7d: {  	_ =	shalt  }
0x7e: {  	_ =	shalt  }
0x7f: {  	_ =	shalt  }
0x80: {  	_ =	shalt  }
0x81: {  	_ =	shalt  }
0x82: {  	_ =	shalt  }
0x83: {  	_ =	shalt  }
0x84: {  	_ =	shalt  }
0x85: {  	_ =	shalt  }
0x86: {  	_ =	shalt  }
0x87: {  	_ =	shalt  }
.Lfunc_end0:
.L_simem_size_0:
called_computation_lowered:
.L_overlay_start_0:
0x88: {  	s2 =	sld [smem:$0x3FD9]  }
0x89: {  	s3 =	sld [smem:$0x3FFE];
	_ =	sdelay $0x1  }
0x8a: {  	s1 =	srdreg.scid  }
0x8b: {  	s0 =	sand.u32 $0x1, s1  }
0x8c: {  	s17 =	sshll.u32 s0, $0xA;
	s2 =	sadd.s32 s3, s2  }
0x8d: {  	s2 =	sadd.s32 s2, s17  }
0x8e: {  	[smem:$0x3FC5] =	sst s2  }
0x8f: {  	_ = 	snop  }
0x90: {  	s2 =	sld [smem:$0x3FC8];
	(tm) =	ssettm $0x1  }
0x91: {  	s18 =	sld [smem:$0x3FFB];
	_ =	sdelay $0x3  }
0x92: {  	_ =	strace s18  }
0x93: {  	s3 =	sld [smem:$0x3FFC];
	_ =	sdelay $0x3  }
0x94: {  	_ =	strace s3  }
0x95: {  	s3 =	sld [smem:$0x3FFD];
	_ =	sdelay $0x3  }
0x96: {  	_ =	strace s3  }
0x97: {  	_ =	strace $0x8FFFFFFF  }
0x98: {  	s19 =	sld [smem:$0x3FDB];
	_ =	sdelay $0x1  }
0x99: {  	s4 =	simm.s32 $_scs_section_size  }
0x9a: {  	s5 =	simm.s32 $_size__tile_overlayer_lowered;
	s6 =	simm.s32 $_tile_overlayer_lowered  }
0x9b: {  	s22 =	simm.s32 $0x1BFF;
	s21 =	sshll.u32 s6, $0x1;
	s3 =	sadd.s32 s4, s19  }
0x9c: {  	s7 =	simm.s32 $0x0;
	s20 =	sshll.u32 s5, $0x1;
	s5 =	sadd.s32 s21, s3  }
0x9d: {  	[timem:s7], [sflag:s22] =	dma.local [hbm:s5], s20  }
0x9e: {  	_ =	swait.ge [sflag:s22], s20  }
0x9f: {  	s4 =	ssub.s32 $0x0, s20;
	[sflag:s22] =	ssyncset.done $0x0  }
0xa0: {  	[sflag:s22] =	ssyncadd.s32 s4;
	_ =	sdelay $0x1  }
0xa1: {  	s23 =	simm.s32 $0x1B8B  }
0xa2: {  	_ =	swait.ge [sflag:s23], $0x1  }
0xa3: {  	[sflag:s23] =	ssyncset.done $0x0  }
0xa4: {  	s25 =	simm.s32 $0x1B8E;
	s24 =	sld [smem:$0x3FFE];
	[sflag:s23] =	ssyncadd.s32 $0xFFFFFFFF  }
0xa5: {  	s26 =	simm.s32 $execute0_lowered;
	[smem:$0x3FD2] =	sst s25  }
0xa6: {  	s5 =	sshll.u32 s26, $0x1;
	_ =	strace $0x80000046;
	[dreg:$0x1] =	wrdreg $0xFFFFFFFF  }
0xa7: {  	s28 =	simm.s32 $_size_execute0_lowered;
	s3 =	sadd.s32 s3, s5;
	[dreg:$0x0] =	wrdreg $0x0  }
0xa8: {  	s5 =	sshll.u32 s28, $0x1;
	[dreg:$0x2] =	wrdreg s3  }
0xa9: {  	[dreg:$0x3] =	wrdreg s5  }
0xaa: {  	[dreg:$0x4] =	wrdreg $0xC0  }
0xab: {  	_ =	task [dreg:s7], $0x5FFFF  }
0xac: {  	[dreg:$0x1] =	wrdreg $0xFFFFFFFF  }
0xad: {  	[dreg:$0x0] =	wrdreg $0x60  }
0xae: {  	[dreg:$0x2] =	wrdreg s2  }
0xaf: {  	[dreg:$0x3] =	wrdreg s24  }
0xb0: {  	[dreg:$0x4] =	wrdreg $0x9  }
0xb1: {  	_ =	task.clear_ibuf [dreg:s7], $0x5FFFF;
	_ =	strace $0x90000046  }
0xb2: {  	s29 =	simm.s32 $0x9;
	_ =	strace $0x80000048  }
0xb3: {  	_ =	swait.ge [sflag:s29], $0x1  }
0xb4: {  	[sflag:s29] =	ssyncadd.s32 $0xFFFFFFFF  }
0xb5: {  	_ =	strace $0x90000048  }
0xb6: {  	_ =	sfence  }
0xb7: {  	s30 =	sld [smem:$0x0];
	_ =	sdelay $0x2  }
0xb8: {  	s31 =	sshll.u32 s1, $0xD;
	s1 =	sshrl.u32 s1, $0x2  }
0xb9: {  	s3 =	sand.u32 $0x4000, s31;
	s1 =	sadd.s32 s1, s30  }
0xba: {  	s0 =	sor.u32 s3, s0;
	s1 =	sshll.u32 s1, $0x11  }
0xbb: {  	s0 =	sor.u32 s1, s0  }
0xbc: {  	s0 =	sadd.s32 $0x8F2B, s0  }
0xbd: {  	[sflag:s0] =	ssyncadd.remote.s32 $0x1  }
0xbe: {  	_ =	sfence.sel $0xFFFF  }
0xbf: {  	[dreg:$0x0] =	wrdreg $0xFFFFFFFF;
	(pc) =	sbr.abs _section_cstart, $3  }
0xc0: {  	[dreg:$0x1] =	wrdreg $0xFFFFFFFF  }
0xc1: {  	_ =	task.clear_ibuf [dreg:s7], $0x2FFFF;
	_ =	strace $0x9FFFFFFF  }
0xc2: {  	(tm) =	ssettm $0x7FFFFFFF  }
0xc3: {  	_ =	shalt  }
tec
execute0_lowered:
.L_overlay_start_1:
0x0: {  	(tag) =	ssettag $0x1  }
0x1: {  	s1 =	srdreg.scid  }
0x2: {  	s3 =	rddreg [dreg:$0x0];
	s0 =	stileid.u32;
	s6 =	sand.u32 $0x1, s1  }
0x3: {  	s10 =	rddreg [dreg:$0x1];
	s4 =	sshll.u32 s0, $0x6;
	s5 =	sshll.u32 s6, $0x5  }
0x4: {  	s2 =	simm.s32 $0x0;
	s1 =	rddreg [dreg:$0x2];
	s11 =	sor.u32 s5, s4  }
0x5: {  	[smem:$0x7FF] =	sst s2;
	s4 =	sshrl.u32 s11, $0x3  }
0x6: {  	_ =	strace $0x80000047;
	s4 =	sadd.s32 s3, s4;
	s3 =	simm.s32 $0x2  }
0x7: {  	[tilespmem:s2], [sflag:$0x2] =	stream.linear.gather [hbm4b:s4+s2], $0x20, $0x38;
	[tilespmem:$0x1100] =	vst v63  }
0x8: {  	_ =	swait.ge [sflag:s3], $0x20  }
0x9: {  	[sflag:s3] =	ssyncset.done $0x0  }
0xa: {  	[sflag:s3] =	ssyncadd.s32 $0xFFFFFFE0  }
0xb: {  	v0 =	vld [tilespmem:$0x0]  }
0xc: {  	v1 =	vld [tilespmem:$0x10];
	_ =	sdelay $0x1  }
0xd: {  	s12 =	ssub.s32 $0x2, s6  }
0xe: {  	s7 =	simm.s32 $0x80;
	s13 =	sshrl.u32 s12, $0x1  }
0xf: {  	s8 =	simm.s32 $0x100;
	s11 =	sshll.u32 s11, $0x4;
	s31 =	ssub.s32 s12, s13;
	v0 =	vshra.s32 v0, $0x1  }
0x10: {  	s5 =	sadd.s32 $0x800, s10;
	s10 =	sadd.s32 s11, s10;
	s11 =	smax.u32 s31, $0x1;
	v63 =	vshra.s32 v1, $0x1;
	[tilespmem:$0x80] =	vst v0  }
0x11: {  	s9 =	simm.s32 $0x1;
	s6 =	simm.s32 $0x20;
	p0 =	sne.s32 s11, $0x1;
	[tilespmem:$0x90] =	vst v63  }
0x12: {  	[tilespmem:s8], [sflag:$0x1] =	stream.indirect.gather [hbm4b:s5+s6], $0x80, s7, s6, $0xb8;
	[tilespmem:$0x1100] =	vst v63  }
.Ltmp0:
0x13: {  	_ =	swait.ge [sflag:s9], $0x1000;
	(pc) =	sbr.rel @!p0 .LBB2_2-.Ltmp0, $4  }
0x14: {  	[sflag:s9] =	ssyncset.done $0x0  }
0x15: {  	s10 =	sadd.s32 $0x2800, s10;
	[sflag:s9] =	ssyncadd.s32 $0xFFFFF000  }
0x16: {  	[hbm4b:s10+s2] =	stream.linear.scatter [tilespmem:s8], [sflag:$0x2], $0x1000, $0x38;
	[tilespmem:$0x1100] =	vst v63  }
0x17: {  	s11 =	sadd.s32 $0xFFFFFFFF, s11;
	_ =	swait.ge [sflag:s3], $0x1000  }
.LBB2_1:
0x18: {  	p0 =	sne.s32 s11, $0x1;
	s11 =	sadd.s32 $0xFFFFFFFF, s11;
	[sflag:s3] =	ssyncset.done $0x0  }
0x19: {  	[sflag:s3] =	ssyncadd.s32 $0xFFFFF000  }
0x1a: {  	[tilespmem:s2], [sflag:$0x2] =	stream.linear.gather [hbm4b:s4+s2], $0x20, $0x38;
	[tilespmem:$0x1100] =	vst v63  }
0x1b: {  	_ =	swait.ge [sflag:s3], $0x20  }
0x1c: {  	[sflag:s3] =	ssyncset.done $0x0  }
0x1d: {  	[sflag:s3] =	ssyncadd.s32 $0xFFFFFFE0  }
0x1e: {  	v0 =	vld [tilespmem:$0x0]  }
0x1f: {  	v1 =	vld [tilespmem:$0x10];
	_ =	sdelay $0x3  }
0x20: {  	v0 =	vshra.s32 v0, $0x1  }
0x21: {  	[tilespmem:$0x80] =	vst v0;
	v0 =	vshra.s32 v1, $0x1  }
0x22: {  	[tilespmem:$0x90] =	vst v0  }
0x23: {  	[tilespmem:s8], [sflag:$0x1] =	stream.indirect.gather [hbm4b:s5+s6], $0x80, s7, s6, $0xb8;
	[tilespmem:$0x1100] =	vst v63  }
.Ltmp1:
0x24: {  	_ =	swait.ge [sflag:s9], $0x1000;
	(pc) =	sbr.rel @p0 .LBB2_1-.Ltmp1, $4  }
0x25: {  	[sflag:s9] =	ssyncset.done $0x0  }
0x26: {  	[sflag:s9] =	ssyncadd.s32 $0xFFFFF000  }
0x27: {  	[hbm4b:s10+s2] =	stream.linear.scatter [tilespmem:s8], [sflag:$0x2], $0x1000, $0x38;
	[tilespmem:$0x1100] =	vst v63  }
0x28: {  	_ =	swait.ge [sflag:s3], $0x1000  }
.LBB2_2:
0x29: {  	[sflag:s3] =	ssyncset.done $0x0  }
0x2a: {  	[sflag:s3] =	ssyncadd.s32 $0xFFFFF000  }
0x2b: {  	_ =	sfence.sel $0x180000  }
0x2c: {  	[bflag:$0x0] =	sbarrier.arrive $0xFFFF  }
0x2d: {  	p0 =	sne.s32 s0, $0x0;
	_ =	strace $0x90000047  }
0x2e: {  	s0 =	sadd.s32 @!p0 $0x100000, s1;
	[bflag:$0x2] =	sbarrier.arrive $0xFFFF  }
0x2f: {  	[sflag:s0] =	ssyncadd.tile.s32 @!p0 $0x1;
	_ =	shalt  }
.Lfunc_end2:
_tile_overlayer_lowered:
.L_overlay_start_2:
0x30: {  	(tag) =	ssettag $0x2  }
0x31: {  	s0 =	rddreg [dreg:$0x0];
	s2 =	stileid.u32  }
0x32: {  	s1 =	rddreg [dreg:$0x1];
	p0 =	sne.s32 s2, $0x0  }
0x33: {  	s3 =	rddreg [dreg:$0x2];
	[bflag:$0x3] =	sbarrier.arrive $0xFFFF;
	s2 =	simm.s32 @!p0 $0x1C02  }
0x34: {  	[timem:s3], [sflag:s2] =	dma.local @!p0 [hbm:s0], s1  }
0x35: {  	s0 =	simm.s32 @!p0 $0x2  }
0x36: {  	_ =	swait.ge @!p0 [sflag:s0], s1  }
0x37: {  	s1 =	ssub.s32 @!p0 $0x0, s1;
	[sflag:s0] =	ssyncset.done @!p0 $0x0  }
0x38: {  	[sflag:s0] =	ssyncadd.s32 @!p0 s1  }
0x39: {  	[bflag:$0x3] =	sbarrier.arrive $0xFFFF  }
0x3a: {  	_ =	shalt  }

</sc_bundles>
